<compile_context>
chip_gen: v7x
topology: tpu7x:2x2x1
jax: 0.10.2.dev20260603
libtpu: 0.0.44.dev20260713+nightly
codegen_flags: <defaults>
</compile_context>

<pallas_src>
import functools

import jax
import jax.numpy as jnp
from jax import lax
from jax.experimental import pallas as pl
from jax.experimental.pallas import tpu as pltpu
from jax.experimental.pallas import tpu_sc as plsc


@functools.lru_cache(maxsize=None)
def _build(B, V, D):
  info = plsc.get_sparse_core_info()
  NC, NS = info.num_cores, info.num_subcores
  NW = NC * NS
  b_per_w = B // NW
  mesh = plsc.VectorSubcoreMesh(core_axis_name="c", subcore_axis_name="s")

  @functools.partial(
      pl.kernel,
      mesh=mesh,
      out_type=jax.ShapeDtypeStruct((B, D), jnp.float32),
      scratch_types=[
          pltpu.VMEM((b_per_w,), jnp.int32),
          pltpu.VMEM((b_per_w, D), jnp.float32),
          pltpu.SemaphoreType.DMA,
      ],
      compiler_params=pltpu.CompilerParams(disable_bounds_checks=True),
  )
  def k(idx_hbm, table_hbm, out_hbm, idx_v, rows_v, sem):
    wid = lax.axis_index("s") * NC + lax.axis_index("c")
    base = wid * b_per_w
    pltpu.sync_copy(idx_hbm.at[pl.ds(base, b_per_w)], idx_v)

    @plsc.parallel_loop(0, b_per_w // 16, 1, unroll=2)
    def fire(g):
      v = idx_v[pl.ds(g * 16, 16)]
      for j in range(16):
        pltpu.async_copy(
            table_hbm.at[pl.ds(v[j], 1)],
            rows_v.at[pl.ds(g * 16 + j, 1)],
            sem,
        )
    pltpu.make_async_copy(table_hbm.at[pl.ds(0, b_per_w)], rows_v, sem).wait()
    pltpu.sync_copy(rows_v, out_hbm.at[pl.ds(base, b_per_w)])

  return k


def kernel(severity_level, table):
  B = severity_level.shape[0]
  V, D = table.shape
  k = _build(B, V, D)
  return k(severity_level.astype(jnp.int32), table)

# --- scband reference (transcript-rebuilt; emitter-appended) ---
"""Pipeline reference for scband-severity-embedding-33268816675466 (READ-ONLY COPY).

The authoritative reference and input builder live on the scoring server;
editing this copy changes nothing except your own understanding.
"""

import jax, jax.numpy as jnp
import numpy as np


def setup_inputs(seed: int = 0) -> dict:
    key = jax.random.key(seed)
    k1, k2 = jax.random.split(key)
    severity_level = jax.random.randint(k1, (16384,), 0, 1000000, dtype=jnp.int64) if jax.config.jax_enable_x64 else jax.random.randint(k1, (16384,), 0, 1000000, dtype=jnp.int32)
    table = jax.random.normal(k2, (1000000, 32), dtype=jnp.float32)
    return {"severity_level": severity_level, "table": table}


def reference(severity_level, table):
    # nn.Embedding forward: gather rows of the table by index
    return jnp.take(table, severity_level, axis=0)

if __name__ == "__main__":
    import jax
    _d = setup_inputs()
    print(jax.jit(kernel)(*tuple(_d.values())))

</pallas_src>

<mosaic_0001>
#map = affine_map<(d0, d1) -> (0)>
#map1 = affine_map<(d0, d1) -> (0, 0)>
module attributes {stable_mosaic.version = 14 : i64} {
  func.func @k(%arg0: i32, %arg1: i32, %arg2: memref<16384xi32, #tpu.memory_space<hbm>>, %arg3: memref<1000000x32xf32, #tpu.memory_space<hbm>>, %arg4: memref<16384x32xf32, #tpu.memory_space<hbm>>, %arg5: memref<512xi32, #tpu.memory_space<vmem>>, %arg6: memref<512x32xf32, #tpu.memory_space<vmem>>, %arg7: memref<!tpu.dma_semaphore, #tpu.memory_space<semaphore_mem>>) attributes {dimension_semantics = [#tpu.dimension_semantics<core_parallel>, #tpu.dimension_semantics<subcore_parallel>], iteration_bounds = array<i64: 2, 16>, scalar_prefetch = 0 : i64, scratch_operands = 3 : i64, tpu.core_type = #tpu.core_type<sc_vector_subcore>, window_params = [{transform_indices = #map}, {transform_indices = #map1}, {transform_indices = #map1}]} {
    %mul3A = arith.constant 2 : i32
    %mul3A_0 = arith.muli %arg1, %mul3A : i32
    %add3A = arith.addi %mul3A_0, %arg0 : i32
    %mul3A_1 = arith.constant 512 : i32
    %mul3A_2 = arith.muli %add3A, %mul3A_1 : i32
    "tpu.region"() ({
      %run_scoped3A = tpu.sem_alloc : memref<!tpu.dma_semaphore, #tpu.memory_space<semaphore_mem>>
      %dma_start3A = tpu.memref_slice %arg2[%mul3A_2] : memref<16384xi32, #tpu.memory_space<hbm>> -> memref<512xi32, #tpu.memory_space<hbm>>
      %dma_start3A_10 = tpu.memref_slice %arg2[%mul3A_2] : memref<16384xi32, #tpu.memory_space<hbm>> -> memref<512xi32, #tpu.memory_space<hbm>>
      tpu.enqueue_dma source(%dma_start3A_10 : memref<512xi32, #tpu.memory_space<hbm>>) target(%arg5 : memref<512xi32, #tpu.memory_space<vmem>>) target_semaphore(%run_scoped3A : memref<!tpu.dma_semaphore, #tpu.memory_space<semaphore_mem>>)
      %dma_wait3A_11 = tpu.memref_slice %arg2[%mul3A_2] : memref<16384xi32, #tpu.memory_space<hbm>> -> memref<512xi32, #tpu.memory_space<hbm>>
      %dma_wait3A_12 = tpu.memref_slice %arg2[%mul3A_2] : memref<16384xi32, #tpu.memory_space<hbm>> -> memref<512xi32, #tpu.memory_space<hbm>>
      tpu.wait_dma2 semaphore(%run_scoped3A : memref<!tpu.dma_semaphore, #tpu.memory_space<semaphore_mem>>) src(%dma_wait3A_12 : memref<512xi32, #tpu.memory_space<hbm>>) dst(%arg5 : memref<512xi32, #tpu.memory_space<vmem>>)
      tpu.yield
    }) : () -> ()
    %parallel_loop3A = arith.constant 0 : i32
    %parallel_loop3A_3 = arith.constant 32 : i32
    %parallel_loop3A_4 = arith.constant 1 : i32
    scf.for %parallel_loop3A_10 = %parallel_loop3A to %parallel_loop3A_3 step %parallel_loop3A_4  : i32 {
      %parallel_loop3A_11 = arith.constant 16 : i32
      %parallel_loop3A_12 = arith.muli %parallel_loop3A_10, %parallel_loop3A_11 : i32
      %parallel_loop3A_13 = arith.index_cast %parallel_loop3A_12 : i32 to index
      %parallel_loop3A_14 = tpu.vector_load %arg5[%parallel_loop3A_13] {strides = array<i32>} : memref<512xi32, #tpu.memory_space<vmem>>, vector<16xi32>,
      %parallel_loop3A_15 = vector.shape_cast %parallel_loop3A_14 : vector<16xi32> to vector<16xi32>
      %parallel_loop3A_16 = vector.extract_strided_slice %parallel_loop3A_15 {offsets = [0], sizes = [1], strides = [1]} : vector<16xi32> to vector<1xi32>
      %parallel_loop3A_17 = vector.extract %parallel_loop3A_16[0] : i32 from vector<1xi32>
      %parallel_loop3A_18 = arith.constant 16 : i32
      %parallel_loop3A_19 = arith.muli %parallel_loop3A_10, %parallel_loop3A_18 : i32
      %parallel_loop3A_20 = arith.constant 0 : i32
      %parallel_loop3A_21 = arith.addi %parallel_loop3A_19, %parallel_loop3A_20 : i32
      %parallel_loop3A_22 = arith.constant 0 : i32
      %parallel_loop3A_23 = tpu.memref_slice %arg6[%parallel_loop3A_21, %parallel_loop3A_22] : memref<512x32xf32, #tpu.memory_space<vmem>> -> memref<1x32xf32, #tpu.memory_space<vmem>>
      %parallel_loop3A_24 = arith.constant 0 : i32
      %parallel_loop3A_25 = tpu.memref_slice %arg3[%parallel_loop3A_17, %parallel_loop3A_24] : memref<1000000x32xf32, #tpu.memory_space<hbm>> -> memref<1x32xf32, #tpu.memory_space<hbm>>
      %parallel_loop3A_26 = arith.constant 0 : i32
      %parallel_loop3A_27 = tpu.memref_slice %arg6[%parallel_loop3A_21, %parallel_loop3A_26] : memref<512x32xf32, #tpu.memory_space<vmem>> -> memref<1x32xf32, #tpu.memory_space<vmem>>
      %parallel_loop3A_28 = arith.constant 0 : i32
      %parallel_loop3A_29 = tpu.memref_slice %arg3[%parallel_loop3A_17, %parallel_loop3A_28] : memref<1000000x32xf32, #tpu.memory_space<hbm>> -> memref<1x32xf32, #tpu.memory_space<hbm>>
      tpu.enqueue_dma source(%parallel_loop3A_29 : memref<1x32xf32, #tpu.memory_space<hbm>>) target(%parallel_loop3A_27 : memref<1x32xf32, #tpu.memory_space<vmem>>) target_semaphore(%arg7 : memref<!tpu.dma_semaphore, #tpu.memory_space<semaphore_mem>>)
      %parallel_loop3A_30 = vector.extract_strided_slice %parallel_loop3A_15 {offsets = [1], sizes = [1], strides = [1]} : vector<16xi32> to vector<1xi32>
      %parallel_loop3A_31 = vector.extract %parallel_loop3A_30[0] : i32 from vector<1xi32>
      %parallel_loop3A_32 = arith.constant 16 : i32
      %parallel_loop3A_33 = arith.muli %parallel_loop3A_10, %parallel_loop3A_32 : i32
      %parallel_loop3A_34 = arith.constant 1 : i32
      %parallel_loop3A_35 = arith.addi %parallel_loop3A_33, %parallel_loop3A_34 : i32
      %parallel_loop3A_36 = arith.constant 0 : i32
      %parallel_loop3A_37 = tpu.memref_slice %arg6[%parallel_loop3A_35, %parallel_loop3A_36] : memref<512x32xf32, #tpu.memory_space<vmem>> -> memref<1x32xf32, #tpu.memory_space<vmem>>
      %parallel_loop3A_38 = arith.constant 0 : i32
      %parallel_loop3A_39 = tpu.memref_slice %arg3[%parallel_loop3A_31, %parallel_loop3A_38] : memref<1000000x32xf32, #tpu.memory_space<hbm>> -> memref<1x32xf32, #tpu.memory_space<hbm>>
      %parallel_loop3A_40 = arith.constant 0 : i32
      %parallel_loop3A_41 = tpu.memref_slice %arg6[%parallel_loop3A_35, %parallel_loop3A_40] : memref<512x32xf32, #tpu.memory_space<vmem>> -> memref<1x32xf32, #tpu.memory_space<vmem>>
      %parallel_loop3A_42 = arith.constant 0 : i32
      %parallel_loop3A_43 = tpu.memref_slice %arg3[%parallel_loop3A_31, %parallel_loop3A_42] : memref<1000000x32xf32, #tpu.memory_space<hbm>> -> memref<1x32xf32, #tpu.memory_space<hbm>>
      tpu.enqueue_dma source(%parallel_loop3A_43 : memref<1x32xf32, #tpu.memory_space<hbm>>) target(%parallel_loop3A_41 : memref<1x32xf32, #tpu.memory_space<vmem>>) target_semaphore(%arg7 : memref<!tpu.dma_semaphore, #tpu.memory_space<semaphore_mem>>)
      %parallel_loop3A_44 = vector.extract_strided_slice %parallel_loop3A_15 {offsets = [2], sizes = [1], strides = [1]} : vector<16xi32> to vector<1xi32>
      %parallel_loop3A_45 = vector.extract %parallel_loop3A_44[0] : i32 from vector<1xi32>
      %parallel_loop3A_46 = arith.constant 16 : i32
      %parallel_loop3A_47 = arith.muli %parallel_loop3A_10, %parallel_loop3A_46 : i32
      %parallel_loop3A_48 = arith.constant 2 : i32
      %parallel_loop3A_49 = arith.addi %parallel_loop3A_47, %parallel_loop3A_48 : i32
      %parallel_loop3A_50 = arith.constant 0 : i32
      %parallel_loop3A_51 = tpu.memref_slice %arg6[%parallel_loop3A_49, %parallel_loop3A_50] : memref<512x32xf32, #tpu.memory_space<vmem>> -> memref<1x32xf32, #tpu.memory_space<vmem>>
      %parallel_loop3A_52 = arith.constant 0 : i32
      %parallel_loop3A_53 = tpu.memref_slice %arg3[%parallel_loop3A_45, %parallel_loop3A_52] : memref<1000000x32xf32, #tpu.memory_space<hbm>> -> memref<1x32xf32, #tpu.memory_space<hbm>>
      %parallel_loop3A_54 = arith.constant 0 : i32
      %parallel_loop3A_55 = tpu.memref_slice %arg6[%parallel_loop3A_49, %parallel_loop3A_54] : memref<512x32xf32, #tpu.memory_space<vmem>> -> memref<1x32xf32, #tpu.memory_space<vmem>>
      %parallel_loop3A_56 = arith.constant 0 : i32
      %parallel_loop3A_57 = tpu.memref_slice %arg3[%parallel_loop3A_45, %parallel_loop3A_56] : memref<1000000x32xf32, #tpu.memory_space<hbm>> -> memref<1x32xf32, #tpu.memory_space<hbm>>
      tpu.enqueue_dma source(%parallel_loop3A_57 : memref<1x32xf32, #tpu.memory_space<hbm>>) target(%parallel_loop3A_55 : memref<1x32xf32, #tpu.memory_space<vmem>>) target_semaphore(%arg7 : memref<!tpu.dma_semaphore, #tpu.memory_space<semaphore_mem>>)
      %parallel_loop3A_58 = vector.extract_strided_slice %parallel_loop3A_15 {offsets = [3], sizes = [1], strides = [1]} : vector<16xi32> to vector<1xi32>
      %parallel_loop3A_59 = vector.extract %parallel_loop3A_58[0] : i32 from vector<1xi32>
      %parallel_loop3A_60 = arith.constant 16 : i32
      %parallel_loop3A_61 = arith.muli %parallel_loop3A_10, %parallel_loop3A_60 : i32
      %parallel_loop3A_62 = arith.constant 3 : i32
      %parallel_loop3A_63 = arith.addi %parallel_loop3A_61, %parallel_loop3A_62 : i32
      %parallel_loop3A_64 = arith.constant 0 : i32
      %parallel_loop3A_65 = tpu.memref_slice %arg6[%parallel_loop3A_63, %parallel_loop3A_64] : memref<512x32xf32, #tpu.memory_space<vmem>> -> memref<1x32xf32, #tpu.memory_space<vmem>>
      %parallel_loop3A_66 = arith.constant 0 : i32
      %parallel_loop3A_67 = tpu.memref_slice %arg3[%parallel_loop3A_59, %parallel_loop3A_66] : memref<1000000x32xf32, #tpu.memory_space<hbm>> -> memref<1x32xf32, #tpu.memory_space<hbm>>
      %parallel_loop3A_68 = arith.constant 0 : i32
      %parallel_loop3A_69 = tpu.memref_slice %arg6[%parallel_loop3A_63, %parallel_loop3A_68] : memref<512x32xf32, #tpu.memory_space<vmem>> -> memref<1x32xf32, #tpu.memory_space<vmem>>
      %parallel_loop3A_70 = arith.constant 0 : i32
      %parallel_loop3A_71 = tpu.memref_slice %arg3[%parallel_loop3A_59, %parallel_loop3A_70] : memref<1000000x32xf32, #tpu.memory_space<hbm>> -> memref<1x32xf32, #tpu.memory_space<hbm>>
      tpu.enqueue_dma source(%parallel_loop3A_71 : memref<1x32xf32, #tpu.memory_space<hbm>>) target(%parallel_loop3A_69 : memref<1x32xf32, #tpu.memory_space<vmem>>) target_semaphore(%arg7 : memref<!tpu.dma_semaphore, #tpu.memory_space<semaphore_mem>>)
      %parallel_loop3A_72 = vector.extract_strided_slice %parallel_loop3A_15 {offsets = [4], sizes = [1], strides = [1]} : vector<16xi32> to vector<1xi32>
      %parallel_loop3A_73 = vector.extract %parallel_loop3A_72[0] : i32 from vector<1xi32>
      %parallel_loop3A_74 = arith.constant 16 : i32
      %parallel_loop3A_75 = arith.muli %parallel_loop3A_10, %parallel_loop3A_74 : i32
      %parallel_loop3A_76 = arith.constant 4 : i32
      %parallel_loop3A_77 = arith.addi %parallel_loop3A_75, %parallel_loop3A_76 : i32
      %parallel_loop3A_78 = arith.constant 0 : i32
      %parallel_loop3A_79 = tpu.memref_slice %arg6[%parallel_loop3A_77, %parallel_loop3A_78] : memref<512x32xf32, #tpu.memory_space<vmem>> -> memref<1x32xf32, #tpu.memory_space<vmem>>
      %parallel_loop3A_80 = arith.constant 0 : i32
      %parallel_loop3A_81 = tpu.memref_slice %arg3[%parallel_loop3A_73, %parallel_loop3A_80] : memref<1000000x32xf32, #tpu.memory_space<hbm>> -> memref<1x32xf32, #tpu.memory_space<hbm>>
      %parallel_loop3A_82 = arith.constant 0 : i32
      %parallel_loop3A_83 = tpu.memref_slice %arg6[%parallel_loop3A_77, %parallel_loop3A_82] : memref<512x32xf32, #tpu.memory_space<vmem>> -> memref<1x32xf32, #tpu.memory_space<vmem>>
      %parallel_loop3A_84 = arith.constant 0 : i32
      %parallel_loop3A_85 = tpu.memref_slice %arg3[%parallel_loop3A_73, %parallel_loop3A_84] : memref<1000000x32xf32, #tpu.memory_space<hbm>> -> memref<1x32xf32, #tpu.memory_space<hbm>>
      tpu.enqueue_dma source(%parallel_loop3A_85 : memref<1x32xf32, #tpu.memory_space<hbm>>) target(%parallel_loop3A_83 : memref<1x32xf32, #tpu.memory_space<vmem>>) target_semaphore(%arg7 : memref<!tpu.dma_semaphore, #tpu.memory_space<semaphore_mem>>)
      %parallel_loop3A_86 = vector.extract_strided_slice %parallel_loop3A_15 {offsets = [5], sizes = [1], strides = [1]} : vector<16xi32> to vector<1xi32>
      %parallel_loop3A_87 = vector.extract %parallel_loop3A_86[0] : i32 from vector<1xi32>
      %parallel_loop3A_88 = arith.constant 16 : i32
      %parallel_loop3A_89 = arith.muli %parallel_loop3A_10, %parallel_loop3A_88 : i32
      %parallel_loop3A_90 = arith.constant 5 : i32
      %parallel_loop3A_91 = arith.addi %parallel_loop3A_89, %parallel_loop3A_90 : i32
      %parallel_loop3A_92 = arith.constant 0 : i32
      %parallel_loop3A_93 = tpu.memref_slice %arg6[%parallel_loop3A_91, %parallel_loop3A_92] : memref<512x32xf32, #tpu.memory_space<vmem>> -> memref<1x32xf32, #tpu.memory_space<vmem>>
      %parallel_loop3A_94 = arith.constant 0 : i32
      %parallel_loop3A_95 = tpu.memref_slice %arg3[%parallel_loop3A_87, %parallel_loop3A_94] : memref<1000000x32xf32, #tpu.memory_space<hbm>> -> memref<1x32xf32, #tpu.memory_space<hbm>>
      %parallel_loop3A_96 = arith.constant 0 : i32
      %parallel_loop3A_97 = tpu.memref_slice %arg6[%parallel_loop3A_91, %parallel_loop3A_96] : memref<512x32xf32, #tpu.memory_space<vmem>> -> memref<1x32xf32, #tpu.memory_space<vmem>>
      %parallel_loop3A_98 = arith.constant 0 : i32
      %parallel_loop3A_99 = tpu.memref_slice %arg3[%parallel_loop3A_87, %parallel_loop3A_98] : memref<1000000x32xf32, #tpu.memory_space<hbm>> -> memref<1x32xf32, #tpu.memory_space<hbm>>
      tpu.enqueue_dma source(%parallel_loop3A_99 : memref<1x32xf32, #tpu.memory_space<hbm>>) target(%parallel_loop3A_97 : memref<1x32xf32, #tpu.memory_space<vmem>>) target_semaphore(%arg7 : memref<!tpu.dma_semaphore, #tpu.memory_space<semaphore_mem>>)
      %parallel_loop3A_100 = vector.extract_strided_slice %parallel_loop3A_15 {offsets = [6], sizes = [1], strides = [1]} : vector<16xi32> to vector<1xi32>
      %parallel_loop3A_101 = vector.extract %parallel_loop3A_100[0] : i32 from vector<1xi32>
      %parallel_loop3A_102 = arith.constant 16 : i32
      %parallel_loop3A_103 = arith.muli %parallel_loop3A_10, %parallel_loop3A_102 : i32
      %parallel_loop3A_104 = arith.constant 6 : i32
      %parallel_loop3A_105 = arith.addi %parallel_loop3A_103, %parallel_loop3A_104 : i32
      %parallel_loop3A_106 = arith.constant 0 : i32
      %parallel_loop3A_107 = tpu.memref_slice %arg6[%parallel_loop3A_105, %parallel_loop3A_106] : memref<512x32xf32, #tpu.memory_space<vmem>> -> memref<1x32xf32, #tpu.memory_space<vmem>>
      %parallel_loop3A_108 = arith.constant 0 : i32
      %parallel_loop3A_109 = tpu.memref_slice %arg3[%parallel_loop3A_101, %parallel_loop3A_108] : memref<1000000x32xf32, #tpu.memory_space<hbm>> -> memref<1x32xf32, #tpu.memory_space<hbm>>
      %parallel_loop3A_110 = arith.constant 0 : i32
      %parallel_loop3A_111 = tpu.memref_slice %arg6[%parallel_loop3A_105, %parallel_loop3A_110] : memref<512x32xf32, #tpu.memory_space<vmem>> -> memref<1x32xf32, #tpu.memory_space<vmem>>
      %parallel_loop3A_112 = arith.constant 0 : i32
      %parallel_loop3A_113 = tpu.memref_slice %arg3[%parallel_loop3A_101, %parallel_loop3A_112] : memref<1000000x32xf32, #tpu.memory_space<hbm>> -> memref<1x32xf32, #tpu.memory_space<hbm>>
      tpu.enqueue_dma source(%parallel_loop3A_113 : memref<1x32xf32, #tpu.memory_space<hbm>>) target(%parallel_loop3A_111 : memref<1x32xf32, #tpu.memory_space<vmem>>) target_semaphore(%arg7 : memref<!tpu.dma_semaphore, #tpu.memory_space<semaphore_mem>>)
      %parallel_loop3A_114 = vector.extract_strided_slice %parallel_loop3A_15 {offsets = [7], sizes = [1], strides = [1]} : vector<16xi32> to vector<1xi32>
      %parallel_loop3A_115 = vector.extract %parallel_loop3A_114[0] : i32 from vector<1xi32>
      %parallel_loop3A_116 = arith.constant 16 : i32
      %parallel_loop3A_117 = arith.muli %parallel_loop3A_10, %parallel_loop3A_116 : i32
      %parallel_loop3A_118 = arith.constant 7 : i32
      %parallel_loop3A_119 = arith.addi %parallel_loop3A_117, %parallel_loop3A_118 : i32
      %parallel_loop3A_120 = arith.constant 0 : i32
      %parallel_loop3A_121 = tpu.memref_slice %arg6[%parallel_loop3A_119, %parallel_loop3A_120] : memref<512x32xf32, #tpu.memory_space<vmem>> -> memref<1x32xf32, #tpu.memory_space<vmem>>
      %parallel_loop3A_122 = arith.constant 0 : i32
      %parallel_loop3A_123 = tpu.memref_slice %arg3[%parallel_loop3A_115, %parallel_loop3A_122] : memref<1000000x32xf32, #tpu.memory_space<hbm>> -> memref<1x32xf32, #tpu.memory_space<hbm>>
      %parallel_loop3A_124 = arith.constant 0 : i32
      %parallel_loop3A_125 = tpu.memref_slice %arg6[%parallel_loop3A_119, %parallel_loop3A_124] : memref<512x32xf32, #tpu.memory_space<vmem>> -> memref<1x32xf32, #tpu.memory_space<vmem>>
      %parallel_loop3A_126 = arith.constant 0 : i32
      %parallel_loop3A_127 = tpu.memref_slice %arg3[%parallel_loop3A_115, %parallel_loop3A_126] : memref<1000000x32xf32, #tpu.memory_space<hbm>> -> memref<1x32xf32, #tpu.memory_space<hbm>>
      tpu.enqueue_dma source(%parallel_loop3A_127 : memref<1x32xf32, #tpu.memory_space<hbm>>) target(%parallel_loop3A_125 : memref<1x32xf32, #tpu.memory_space<vmem>>) target_semaphore(%arg7 : memref<!tpu.dma_semaphore, #tpu.memory_space<semaphore_mem>>)
      %parallel_loop3A_128 = vector.extract_strided_slice %parallel_loop3A_15 {offsets = [8], sizes = [1], strides = [1]} : vector<16xi32> to vector<1xi32>
      %parallel_loop3A_129 = vector.extract %parallel_loop3A_128[0] : i32 from vector<1xi32>
      %parallel_loop3A_130 = arith.constant 16 : i32
      %parallel_loop3A_131 = arith.muli %parallel_loop3A_10, %parallel_loop3A_130 : i32
      %parallel_loop3A_132 = arith.constant 8 : i32
      %parallel_loop3A_133 = arith.addi %parallel_loop3A_131, %parallel_loop3A_132 : i32
      %parallel_loop3A_134 = arith.constant 0 : i32
      %parallel_loop3A_135 = tpu.memref_slice %arg6[%parallel_loop3A_133, %parallel_loop3A_134] : memref<512x32xf32, #tpu.memory_space<vmem>> -> memref<1x32xf32, #tpu.memory_space<vmem>>
      %parallel_loop3A_136 = arith.constant 0 : i32
      %parallel_loop3A_137 = tpu.memref_slice %arg3[%parallel_loop3A_129, %parallel_loop3A_136] : memref<1000000x32xf32, #tpu.memory_space<hbm>> -> memref<1x32xf32, #tpu.memory_space<hbm>>
      %parallel_loop3A_138 = arith.constant 0 : i32
      %parallel_loop3A_139 = tpu.memref_slice %arg6[%parallel_loop3A_133, %parallel_loop3A_138] : memref<512x32xf32, #tpu.memory_space<vmem>> -> memref<1x32xf32, #tpu.memory_space<vmem>>
      %parallel_loop3A_140 = arith.constant 0 : i32
      %parallel_loop3A_141 = tpu.memref_slice %arg3[%parallel_loop3A_129, %parallel_loop3A_140] : memref<1000000x32xf32, #tpu.memory_space<hbm>> -> memref<1x32xf32, #tpu.memory_space<hbm>>
      tpu.enqueue_dma source(%parallel_loop3A_141 : memref<1x32xf32, #tpu.memory_space<hbm>>) target(%parallel_loop3A_139 : memref<1x32xf32, #tpu.memory_space<vmem>>) target_semaphore(%arg7 : memref<!tpu.dma_semaphore, #tpu.memory_space<semaphore_mem>>)
      %parallel_loop3A_142 = vector.extract_strided_slice %parallel_loop3A_15 {offsets = [9], sizes = [1], strides = [1]} : vector<16xi32> to vector<1xi32>
      %parallel_loop3A_143 = vector.extract %parallel_loop3A_142[0] : i32 from vector<1xi32>
      %parallel_loop3A_144 = arith.constant 16 : i32
      %parallel_loop3A_145 = arith.muli %parallel_loop3A_10, %parallel_loop3A_144 : i32
      %parallel_loop3A_146 = arith.constant 9 : i32
      %parallel_loop3A_147 = arith.addi %parallel_loop3A_145, %parallel_loop3A_146 : i32
      %parallel_loop3A_148 = arith.constant 0 : i32
      %parallel_loop3A_149 = tpu.memref_slice %arg6[%parallel_loop3A_147, %parallel_loop3A_148] : memref<512x32xf32, #tpu.memory_space<vmem>> -> memref<1x32xf32, #tpu.memory_space<vmem>>
      %parallel_loop3A_150 = arith.constant 0 : i32
      %parallel_loop3A_151 = tpu.memref_slice %arg3[%parallel_loop3A_143, %parallel_loop3A_150] : memref<1000000x32xf32, #tpu.memory_space<hbm>> -> memref<1x32xf32, #tpu.memory_space<hbm>>
      %parallel_loop3A_152 = arith.constant 0 : i32
      %parallel_loop3A_153 = tpu.memref_slice %arg6[%parallel_loop3A_147, %parallel_loop3A_152] : memref<512x32xf32, #tpu.memory_space<vmem>> -> memref<1x32xf32, #tpu.memory_space<vmem>>
      %parallel_loop3A_154 = arith.constant 0 : i32
      %parallel_loop3A_155 = tpu.memref_slice %arg3[%parallel_loop3A_143, %parallel_loop3A_154] : memref<1000000x32xf32, #tpu.memory_space<hbm>> -> memref<1x32xf32, #tpu.memory_space<hbm>>
      tpu.enqueue_dma source(%parallel_loop3A_155 : memref<1x32xf32, #tpu.memory_space<hbm>>) target(%parallel_loop3A_153 : memref<1x32xf32, #tpu.memory_space<vmem>>) target_semaphore(%arg7 : memref<!tpu.dma_semaphore, #tpu.memory_space<semaphore_mem>>)
      %parallel_loop3A_156 = vector.extract_strided_slice %parallel_loop3A_15 {offsets = [10], sizes = [1], strides = [1]} : vector<16xi32> to vector<1xi32>
      %parallel_loop3A_157 = vector.extract %parallel_loop3A_156[0] : i32 from vector<1xi32>
      %parallel_loop3A_158 = arith.constant 16 : i32
      %parallel_loop3A_159 = arith.muli %parallel_loop3A_10, %parallel_loop3A_158 : i32
      %parallel_loop3A_160 = arith.constant 10 : i32
      %parallel_loop3A_161 = arith.addi %parallel_loop3A_159, %parallel_loop3A_160 : i32
      %parallel_loop3A_162 = arith.constant 0 : i32
      %parallel_loop3A_163 = tpu.memref_slice %arg6[%parallel_loop3A_161, %parallel_loop3A_162] : memref<512x32xf32, #tpu.memory_space<vmem>> -> memref<1x32xf32, #tpu.memory_space<vmem>>
      %parallel_loop3A_164 = arith.constant 0 : i32
      %parallel_loop3A_165 = tpu.memref_slice %arg3[%parallel_loop3A_157, %parallel_loop3A_164] : memref<1000000x32xf32, #tpu.memory_space<hbm>> -> memref<1x32xf32, #tpu.memory_space<hbm>>
      %parallel_loop3A_166 = arith.constant 0 : i32
      %parallel_loop3A_167 = tpu.memref_slice %arg6[%parallel_loop3A_161, %parallel_loop3A_166] : memref<512x32xf32, #tpu.memory_space<vmem>> -> memref<1x32xf32, #tpu.memory_space<vmem>>
      %parallel_loop3A_168 = arith.constant 0 : i32
      %parallel_loop3A_169 = tpu.memref_slice %arg3[%parallel_loop3A_157, %parallel_loop3A_168] : memref<1000000x32xf32, #tpu.memory_space<hbm>> -> memref<1x32xf32, #tpu.memory_space<hbm>>
      tpu.enqueue_dma source(%parallel_loop3A_169 : memref<1x32xf32, #tpu.memory_space<hbm>>) target(%parallel_loop3A_167 : memref<1x32xf32, #tpu.memory_space<vmem>>) target_semaphore(%arg7 : memref<!tpu.dma_semaphore, #tpu.memory_space<semaphore_mem>>)
      %parallel_loop3A_170 = vector.extract_strided_slice %parallel_loop3A_15 {offsets = [11], sizes = [1], strides = [1]} : vector<16xi32> to vector<1xi32>
      %parallel_loop3A_171 = vector.extract %parallel_loop3A_170[0] : i32 from vector<1xi32>
      %parallel_loop3A_172 = arith.constant 16 : i32
      %parallel_loop3A_173 = arith.muli %parallel_loop3A_10, %parallel_loop3A_172 : i32
      %parallel_loop3A_174 = arith.constant 11 : i32
      %parallel_loop3A_175 = arith.addi %parallel_loop3A_173, %parallel_loop3A_174 : i32
      %parallel_loop3A_176 = arith.constant 0 : i32
      %parallel_loop3A_177 = tpu.memref_slice %arg6[%parallel_loop3A_175, %parallel_loop3A_176] : memref<512x32xf32, #tpu.memory_space<vmem>> -> memref<1x32xf32, #tpu.memory_space<vmem>>
      %parallel_loop3A_178 = arith.constant 0 : i32
      %parallel_loop3A_179 = tpu.memref_slice %arg3[%parallel_loop3A_171, %parallel_loop3A_178] : memref<1000000x32xf32, #tpu.memory_space<hbm>> -> memref<1x32xf32, #tpu.memory_space<hbm>>
      %parallel_loop3A_180 = arith.constant 0 : i32
      %parallel_loop3A_181 = tpu.memref_slice %arg6[%parallel_loop3A_175, %parallel_loop3A_180] : memref<512x32xf32, #tpu.memory_space<vmem>> -> memref<1x32xf32, #tpu.memory_space<vmem>>
      %parallel_loop3A_182 = arith.constant 0 : i32
      %parallel_loop3A_183 = tpu.memref_slice %arg3[%parallel_loop3A_171, %parallel_loop3A_182] : memref<1000000x32xf32, #tpu.memory_space<hbm>> -> memref<1x32xf32, #tpu.memory_space<hbm>>
      tpu.enqueue_dma source(%parallel_loop3A_183 : memref<1x32xf32, #tpu.memory_space<hbm>>) target(%parallel_loop3A_181 : memref<1x32xf32, #tpu.memory_space<vmem>>) target_semaphore(%arg7 : memref<!tpu.dma_semaphore, #tpu.memory_space<semaphore_mem>>)
      %parallel_loop3A_184 = vector.extract_strided_slice %parallel_loop3A_15 {offsets = [12], sizes = [1], strides = [1]} : vector<16xi32> to vector<1xi32>
      %parallel_loop3A_185 = vector.extract %parallel_loop3A_184[0] : i32 from vector<1xi32>
      %parallel_loop3A_186 = arith.constant 16 : i32
      %parallel_loop3A_187 = arith.muli %parallel_loop3A_10, %parallel_loop3A_186 : i32
      %parallel_loop3A_188 = arith.constant 12 : i32
      %parallel_loop3A_189 = arith.addi %parallel_loop3A_187, %parallel_loop3A_188 : i32
      %parallel_loop3A_190 = arith.constant 0 : i32
      %parallel_loop3A_191 = tpu.memref_slice %arg6[%parallel_loop3A_189, %parallel_loop3A_190] : memref<512x32xf32, #tpu.memory_space<vmem>> -> memref<1x32xf32, #tpu.memory_space<vmem>>
      %parallel_loop3A_192 = arith.constant 0 : i32
      %parallel_loop3A_193 = tpu.memref_slice %arg3[%parallel_loop3A_185, %parallel_loop3A_192] : memref<1000000x32xf32, #tpu.memory_space<hbm>> -> memref<1x32xf32, #tpu.memory_space<hbm>>
      %parallel_loop3A_194 = arith.constant 0 : i32
      %parallel_loop3A_195 = tpu.memref_slice %arg6[%parallel_loop3A_189, %parallel_loop3A_194] : memref<512x32xf32, #tpu.memory_space<vmem>> -> memref<1x32xf32, #tpu.memory_space<vmem>>
      %parallel_loop3A_196 = arith.constant 0 : i32
      %parallel_loop3A_197 = tpu.memref_slice %arg3[%parallel_loop3A_185, %parallel_loop3A_196] : memref<1000000x32xf32, #tpu.memory_space<hbm>> -> memref<1x32xf32, #tpu.memory_space<hbm>>
      tpu.enqueue_dma source(%parallel_loop3A_197 : memref<1x32xf32, #tpu.memory_space<hbm>>) target(%parallel_loop3A_195 : memref<1x32xf32, #tpu.memory_space<vmem>>) target_semaphore(%arg7 : memref<!tpu.dma_semaphore, #tpu.memory_space<semaphore_mem>>)
      %parallel_loop3A_198 = vector.extract_strided_slice %parallel_loop3A_15 {offsets = [13], sizes = [1], strides = [1]} : vector<16xi32> to vector<1xi32>
      %parallel_loop3A_199 = vector.extract %parallel_loop3A_198[0] : i32 from vector<1xi32>
      %parallel_loop3A_200 = arith.constant 16 : i32
      %parallel_loop3A_201 = arith.muli %parallel_loop3A_10, %parallel_loop3A_200 : i32
      %parallel_loop3A_202 = arith.constant 13 : i32
      %parallel_loop3A_203 = arith.addi %parallel_loop3A_201, %parallel_loop3A_202 : i32
      %parallel_loop3A_204 = arith.constant 0 : i32
      %parallel_loop3A_205 = tpu.memref_slice %arg6[%parallel_loop3A_203, %parallel_loop3A_204] : memref<512x32xf32, #tpu.memory_space<vmem>> -> memref<1x32xf32, #tpu.memory_space<vmem>>
      %parallel_loop3A_206 = arith.constant 0 : i32
      %parallel_loop3A_207 = tpu.memref_slice %arg3[%parallel_loop3A_199, %parallel_loop3A_206] : memref<1000000x32xf32, #tpu.memory_space<hbm>> -> memref<1x32xf32, #tpu.memory_space<hbm>>
      %parallel_loop3A_208 = arith.constant 0 : i32
      %parallel_loop3A_209 = tpu.memref_slice %arg6[%parallel_loop3A_203, %parallel_loop3A_208] : memref<512x32xf32, #tpu.memory_space<vmem>> -> memref<1x32xf32, #tpu.memory_space<vmem>>
      %parallel_loop3A_210 = arith.constant 0 : i32
      %parallel_loop3A_211 = tpu.memref_slice %arg3[%parallel_loop3A_199, %parallel_loop3A_210] : memref<1000000x32xf32, #tpu.memory_space<hbm>> -> memref<1x32xf32, #tpu.memory_space<hbm>>
      tpu.enqueue_dma source(%parallel_loop3A_211 : memref<1x32xf32, #tpu.memory_space<hbm>>) target(%parallel_loop3A_209 : memref<1x32xf32, #tpu.memory_space<vmem>>) target_semaphore(%arg7 : memref<!tpu.dma_semaphore, #tpu.memory_space<semaphore_mem>>)
      %parallel_loop3A_212 = vector.extract_strided_slice %parallel_loop3A_15 {offsets = [14], sizes = [1], strides = [1]} : vector<16xi32> to vector<1xi32>
      %parallel_loop3A_213 = vector.extract %parallel_loop3A_212[0] : i32 from vector<1xi32>
      %parallel_loop3A_214 = arith.constant 16 : i32
      %parallel_loop3A_215 = arith.muli %parallel_loop3A_10, %parallel_loop3A_214 : i32
      %parallel_loop3A_216 = arith.constant 14 : i32
      %parallel_loop3A_217 = arith.addi %parallel_loop3A_215, %parallel_loop3A_216 : i32
      %parallel_loop3A_218 = arith.constant 0 : i32
      %parallel_loop3A_219 = tpu.memref_slice %arg6[%parallel_loop3A_217, %parallel_loop3A_218] : memref<512x32xf32, #tpu.memory_space<vmem>> -> memref<1x32xf32, #tpu.memory_space<vmem>>
      %parallel_loop3A_220 = arith.constant 0 : i32
      %parallel_loop3A_221 = tpu.memref_slice %arg3[%parallel_loop3A_213, %parallel_loop3A_220] : memref<1000000x32xf32, #tpu.memory_space<hbm>> -> memref<1x32xf32, #tpu.memory_space<hbm>>
      %parallel_loop3A_222 = arith.constant 0 : i32
      %parallel_loop3A_223 = tpu.memref_slice %arg6[%parallel_loop3A_217, %parallel_loop3A_222] : memref<512x32xf32, #tpu.memory_space<vmem>> -> memref<1x32xf32, #tpu.memory_space<vmem>>
      %parallel_loop3A_224 = arith.constant 0 : i32
      %parallel_loop3A_225 = tpu.memref_slice %arg3[%parallel_loop3A_213, %parallel_loop3A_224] : memref<1000000x32xf32, #tpu.memory_space<hbm>> -> memref<1x32xf32, #tpu.memory_space<hbm>>
      tpu.enqueue_dma source(%parallel_loop3A_225 : memref<1x32xf32, #tpu.memory_space<hbm>>) target(%parallel_loop3A_223 : memref<1x32xf32, #tpu.memory_space<vmem>>) target_semaphore(%arg7 : memref<!tpu.dma_semaphore, #tpu.memory_space<semaphore_mem>>)
      %parallel_loop3A_226 = vector.extract_strided_slice %parallel_loop3A_15 {offsets = [15], sizes = [1], strides = [1]} : vector<16xi32> to vector<1xi32>
      %parallel_loop3A_227 = vector.extract %parallel_loop3A_226[0] : i32 from vector<1xi32>
      %parallel_loop3A_228 = arith.constant 16 : i32
      %parallel_loop3A_229 = arith.muli %parallel_loop3A_10, %parallel_loop3A_228 : i32
      %parallel_loop3A_230 = arith.constant 15 : i32
      %parallel_loop3A_231 = arith.addi %parallel_loop3A_229, %parallel_loop3A_230 : i32
      %parallel_loop3A_232 = arith.constant 0 : i32
      %parallel_loop3A_233 = tpu.memref_slice %arg6[%parallel_loop3A_231, %parallel_loop3A_232] : memref<512x32xf32, #tpu.memory_space<vmem>> -> memref<1x32xf32, #tpu.memory_space<vmem>>
      %parallel_loop3A_234 = arith.constant 0 : i32
      %parallel_loop3A_235 = tpu.memref_slice %arg3[%parallel_loop3A_227, %parallel_loop3A_234] : memref<1000000x32xf32, #tpu.memory_space<hbm>> -> memref<1x32xf32, #tpu.memory_space<hbm>>
      %parallel_loop3A_236 = arith.constant 0 : i32
      %parallel_loop3A_237 = tpu.memref_slice %arg6[%parallel_loop3A_231, %parallel_loop3A_236] : memref<512x32xf32, #tpu.memory_space<vmem>> -> memref<1x32xf32, #tpu.memory_space<vmem>>
      %parallel_loop3A_238 = arith.constant 0 : i32
      %parallel_loop3A_239 = tpu.memref_slice %arg3[%parallel_loop3A_227, %parallel_loop3A_238] : memref<1000000x32xf32, #tpu.memory_space<hbm>> -> memref<1x32xf32, #tpu.memory_space<hbm>>
      tpu.enqueue_dma source(%parallel_loop3A_239 : memref<1x32xf32, #tpu.memory_space<hbm>>) target(%parallel_loop3A_237 : memref<1x32xf32, #tpu.memory_space<vmem>>) target_semaphore(%arg7 : memref<!tpu.dma_semaphore, #tpu.memory_space<semaphore_mem>>)
    } {sc.loop_unroll_factor = 2 : i64, sc.parallel_access}
    %dma_wait3A = arith.constant 0 : i32
    %dma_wait3A_5 = arith.constant 0 : i32
    %dma_wait3A_6 = tpu.memref_slice %arg3[%dma_wait3A, %dma_wait3A_5] : memref<1000000x32xf32, #tpu.memory_space<hbm>> -> memref<512x32xf32, #tpu.memory_space<hbm>>
    %dma_wait3A_7 = arith.constant 0 : i32
    %dma_wait3A_8 = arith.constant 0 : i32
    %dma_wait3A_9 = tpu.memref_slice %arg3[%dma_wait3A_7, %dma_wait3A_8] : memref<1000000x32xf32, #tpu.memory_space<hbm>> -> memref<512x32xf32, #tpu.memory_space<hbm>>
    tpu.wait_dma2 semaphore(%arg7 : memref<!tpu.dma_semaphore, #tpu.memory_space<semaphore_mem>>) src(%dma_wait3A_9 : memref<512x32xf32, #tpu.memory_space<hbm>>) dst(%arg6 : memref<512x32xf32, #tpu.memory_space<vmem>>)
    "tpu.region"() ({
      %run_scoped3A = tpu.sem_alloc : memref<!tpu.dma_semaphore, #tpu.memory_space<semaphore_mem>>
      %dma_start3A = arith.constant 0 : i32
      %dma_start3A_10 = tpu.memref_slice %arg4[%mul3A_2, %dma_start3A] : memref<16384x32xf32, #tpu.memory_space<hbm>> -> memref<512x32xf32, #tpu.memory_space<hbm>>
      %dma_start3A_11 = arith.constant 0 : i32
      %dma_start3A_12 = tpu.memref_slice %arg4[%mul3A_2, %dma_start3A_11] : memref<16384x32xf32, #tpu.memory_space<hbm>> -> memref<512x32xf32, #tpu.memory_space<hbm>>
      tpu.enqueue_dma source(%arg6 : memref<512x32xf32, #tpu.memory_space<vmem>>) target(%dma_start3A_12 : memref<512x32xf32, #tpu.memory_space<hbm>>) target_semaphore(%run_scoped3A : memref<!tpu.dma_semaphore, #tpu.memory_space<semaphore_mem>>)
      %dma_wait3A_13 = arith.constant 0 : i32
      %dma_wait3A_14 = tpu.memref_slice %arg4[%mul3A_2, %dma_wait3A_13] : memref<16384x32xf32, #tpu.memory_space<hbm>> -> memref<512x32xf32, #tpu.memory_space<hbm>>
      %dma_wait3A_15 = arith.constant 0 : i32
      %dma_wait3A_16 = tpu.memref_slice %arg4[%mul3A_2, %dma_wait3A_15] : memref<16384x32xf32, #tpu.memory_space<hbm>> -> memref<512x32xf32, #tpu.memory_space<hbm>>
      tpu.wait_dma2 semaphore(%run_scoped3A : memref<!tpu.dma_semaphore, #tpu.memory_space<semaphore_mem>>) src(%arg6 : memref<512x32xf32, #tpu.memory_space<vmem>>) dst(%dma_wait3A_16 : memref<512x32xf32, #tpu.memory_space<hbm>>)
      tpu.yield
    }) : () -> ()
    return
  }
}

</mosaic_0001>

<sc_bundles>
// kernel: kernel.3.cloned.1.call-start
scs
__scs_entry_jumppad:
0x0: {  	(pc) =	sbr.rel $0x88, $3  }
0x1: {  	(tag) =	ssettag $0x0;
	lr =	simm.s32 $0x1  }
0x2: {  	[smem:$0x3F9F] =	sst lr;
	_ =	strace $0xD0000000  }
0x3: {  	_ = 	snop  }
0x4: {  	_ = 	snop  }
0x5: {  	_ = 	snop  }
0x6: {  	_ = 	snop  }
0x7: {  	_ = 	snop  }
__scs_overlays_trampoline_lowered:
0x8: {  	[smem:$0x3FAE] =	sst s0  }
0x9: {  	[smem:$0x3FAF] =	sst s1  }
0xa: {  	[smem:$0x3FB0] =	sst s2  }
0xb: {  	[smem:$0x3FB1] =	sst s3  }
0xc: {  	[smem:$0x3FB2] =	sst s4  }
0xd: {  	[smem:$0x3FB3] =	sst s5  }
0xe: {  	[smem:$0x3FB4] =	sst s6  }
0xf: {  	[smem:$0x3FB5] =	sst s7  }
0x10: {  	[smem:$0x3FB6] =	sst s8  }
0x11: {  	[smem:$0x3FB7] =	sst s9;
	s0 =	simm.s32 @!p0 $0x0  }
0x12: {  	s1 =	sld [smem:$0x3F9D];
	s0 =	simm.s32 @p0 $0x1  }
0x13: {  	[smem:$0x3FB8] =	sst s0;
	s0 =	simm.s32 @!p1 $0x0  }
0x14: {  	s2 =	sld [smem:$0x3F9C];
	s0 =	simm.s32 @p1 $0x1  }
0x15: {  	[smem:$0x3FB9] =	sst s0;
	s0 =	simm.s32 @!p2 $0x0  }
0x16: {  	s3 =	sld [smem:$0x3FDB];
	s0 =	simm.s32 @p2 $0x1  }
0x17: {  	s4 =	simm.s32 $0x1BF5;
	[smem:$0x3FBB] =	sst s0  }
0x18: {  	s0 =	sld [smem:$0x3F9E];
	_ =	swait.ge [sflag:s4], $0x0  }
0x19: {  	s7 =	sld [smem:$0x3F9F]  }
0x1a: {  	s8 =	sadd.s32 $0xFFFFE003, lr  }
0x1b: {  	s9 =	sadd.s32 $0xFFFFFEF7, lr;
	s5 =	simm.s32 $0xFFFFFFFF;
	p2 =	slt.u32 s8, $0xFFFFF086  }
0x1c: {  	p1 =	slt.u32 s9, $0xF7A;
	s5 =	simm.s32 @!p2 $0x0  }
0x1d: {  	s5 =	simm.s32 @p1 $0x1;
	p0 =	seq.s32 s7, s2  }
0x1e: {  	s7 =	smul.u32 @!p0 $0xF7A, s2;
	p2 =	seq.s32 @!p0 s5, $0x0  }
0x1f: {  	s9 =	smul.u32 $0xF7A, s1;
	s8 =	simm.s32 @!p0 $0x1BF5;
	p2 =	por !p2, p0  }
0x20: {  	[sflag:s8] =	ssyncset.s32 @!p0 $0xFFFFF086;
	s6 =	sadd.s32 @!p0 s3, s7;
	s7 =	simm.s32 @!p0 $0x108  }
0x21: {  	s3 =	sadd.s32 s3, s9;
	s6 =	sadd.s32 @!p0 $0x88, s6;
	s7 =	simm.s32 @p2 $0x1082  }
0x22: {  	[simem:s7], [sflag:s8] =	dma.local @!p0 [hbm:s6], $0xF7A  }
0x23: {  	s9 =	sor.u32 $0xD0000000, s2;
	s6 =	simm.s32 $0x108;
	_ =	swait.ge @!p0 [sflag:s8], $0x0  }
0x24: {  	s3 =	sadd.s32 $0x88, s3;
	s6 =	simm.s32 @!p1 $0x1082;
	[sflag:s4] =	ssyncset.s32 $0xFFFFF086  }
0x25: {  	[simem:s6], [sflag:s4] =	dma.local [hbm:s3], $0xF7A  }
0x26: {  	[smem:$0x3F9F] =	sst s1;
	(tag) =	ssettag s2;
	_ =	strace s9  }
0x27: {  	s1 =	sld [smem:$0x3FAF]  }
0x28: {  	s2 =	sld [smem:$0x3FB0]  }
0x29: {  	s4 =	sld [smem:$0x3FB2]  }
0x2a: {  	p0 =	seq.s32 s5, $0x0;
	s5 =	sld [smem:$0x3FB3]  }
0x2b: {  	s6 =	sld [smem:$0x3FB4]  }
0x2c: {  	s7 =	sld [smem:$0x3FB5]  }
0x2d: {  	s3 =	simm.s32 $0x108;
	s8 =	sld [smem:$0x3FB6]  }
0x2e: {  	s3 =	simm.s32 @!p0 $0x1082;
	s9 =	sld [smem:$0x3FB7]  }
0x2f: {  	lr =	sadd.s32 s0, s3;
	s0 =	sld [smem:$0x3FAE]  }
0x30: {  	s3 =	sld [smem:$0x3FB1]  }
0x31: {  	[smem:$0x3FBA] =	sst s10  }
0x32: {  	s10 =	sld [smem:$0x3FB8];
	_ =	sdelay $0x3  }
0x33: {  	p0 =	seq.s32 s10, $0x1;
	s10 =	sld [smem:$0x3FBA];
	_ =	sdelay $0x3  }
0x34: {  	[smem:$0x3FBA] =	sst s10  }
0x35: {  	s10 =	sld [smem:$0x3FB9];
	_ =	sdelay $0x3  }
0x36: {  	p1 =	seq.s32 s10, $0x1;
	s10 =	sld [smem:$0x3FBA];
	_ =	sdelay $0x3  }
0x37: {  	[smem:$0x3FBA] =	sst s10  }
0x38: {  	s10 =	sld [smem:$0x3FBB]  }
0x39: {  	_ = 	snop;
	(pc) =	sbr.ind lr, $3  }
0x3a: {  	_ = 	snop  }
0x3b: {  	_ = 	snop  }
0x3c: {  	p2 =	seq.s32 s10, $0x1;
	s10 =	sld [smem:$0x3FBA]  }
0x3d: {  	_ =	shalt  }
0x3e: {  	_ =	shalt  }
0x3f: {  	_ =	shalt  }
0x40: {  	_ =	shalt  }
0x41: {  	_ =	shalt  }
0x42: {  	_ =	shalt  }
0x43: {  	_ =	shalt  }
0x44: {  	_ =	shalt  }
0x45: {  	_ =	shalt  }
0x46: {  	_ =	shalt  }
0x47: {  	_ =	shalt  }
0x48: {  	_ =	shalt  }
0x49: {  	_ =	shalt  }
0x4a: {  	_ =	shalt  }
0x4b: {  	_ =	shalt  }
0x4c: {  	_ =	shalt  }
0x4d: {  	_ =	shalt  }
0x4e: {  	_ =	shalt  }
0x4f: {  	_ =	shalt  }
0x50: {  	_ =	shalt  }
0x51: {  	_ =	shalt  }
0x52: {  	_ =	shalt  }
0x53: {  	_ =	shalt  }
0x54: {  	_ =	shalt  }
0x55: {  	_ =	shalt  }
0x56: {  	_ =	shalt  }
0x57: {  	_ =	shalt  }
0x58: {  	_ =	shalt  }
0x59: {  	_ =	shalt  }
0x5a: {  	_ =	shalt  }
0x5b: {  	_ =	shalt  }
0x5c: {  	_ =	shalt  }
0x5d: {  	_ =	shalt  }
0x5e: {  	_ =	shalt  }
0x5f: {  	_ =	shalt  }
0x60: {  	_ =	shalt  }
0x61: {  	_ =	shalt  }
0x62: {  	_ =	shalt  }
0x63: {  	_ =	shalt  }
0x64: {  	_ =	shalt  }
0x65: {  	_ =	shalt  }
0x66: {  	_ =	shalt  }
0x67: {  	_ =	shalt  }
0x68: {  	_ =	shalt  }
0x69: {  	_ =	shalt  }
0x6a: {  	_ =	shalt  }
0x6b: {  	_ =	shalt  }
0x6c: {  	_ =	shalt  }
0x6d: {  	_ =	shalt  }
0x6e: {  	_ =	shalt  }
0x6f: {  	_ =	shalt  }
0x70: {  	_ =	shalt  }
0x71: {  	_ =	shalt  }
0x72: {  	_ =	shalt  }
0x73: {  	_ =	shalt  }
0x74: {  	_ =	shalt  }
0x75: {  	_ =	shalt  }
0x76: {  	_ =	shalt  }
0x77: {  	_ =	shalt  }
0x78: {  	_ =	shalt  }
0x79: {  	_ =	shalt  }
0x7a: {  	_ =	shalt  }
0x7b: {  	_ =	shalt  }
0x7c: {  	_ =	shalt  }
0x7d: {  	_ =	shalt  }
0x7e: {  	_ =	shalt  }
0x7f: {  	_ =	shalt  }
0x80: {  	_ =	shalt  }
0x81: {  	_ =	shalt  }
0x82: {  	_ =	shalt  }
0x83: {  	_ =	shalt  }
0x84: {  	_ =	shalt  }
0x85: {  	_ =	shalt  }
0x86: {  	_ =	shalt  }
0x87: {  	_ =	shalt  }
.Lfunc_end0:
.L_simem_size_0:
called_computation_lowered:
.L_overlay_start_0:
0x88: {  	s2 =	sld [smem:$0x3FD9]  }
0x89: {  	s3 =	sld [smem:$0x3FFE];
	_ =	sdelay $0x1  }
0x8a: {  	s1 =	srdreg.scid  }
0x8b: {  	s0 =	sand.u32 $0x1, s1  }
0x8c: {  	s17 =	sshll.u32 s0, $0xA;
	s2 =	sadd.s32 s3, s2  }
0x8d: {  	s2 =	sadd.s32 s2, s17  }
0x8e: {  	[smem:$0x3FC6] =	sst s2  }
0x8f: {  	_ = 	snop  }
0x90: {  	s2 =	sld [smem:$0x3FC9];
	(tm) =	ssettm $0x1  }
0x91: {  	s18 =	sld [smem:$0x3FFB];
	_ =	sdelay $0x3  }
0x92: {  	_ =	strace s18  }
0x93: {  	s3 =	sld [smem:$0x3FFC];
	_ =	sdelay $0x3  }
0x94: {  	_ =	strace s3  }
0x95: {  	s3 =	sld [smem:$0x3FFD];
	_ =	sdelay $0x3  }
0x96: {  	_ =	strace s3  }
0x97: {  	_ =	strace $0x8FFFFFFF  }
0x98: {  	s19 =	sld [smem:$0x3FDB];
	_ =	sdelay $0x1  }
0x99: {  	s4 =	simm.s32 $_scs_section_size  }
0x9a: {  	s5 =	simm.s32 $_size__tile_overlayer_lowered;
	s6 =	simm.s32 $_tile_overlayer_lowered  }
0x9b: {  	s22 =	simm.s32 $0x1BFF;
	s21 =	sshll.u32 s6, $0x1;
	s3 =	sadd.s32 s4, s19  }
0x9c: {  	s7 =	simm.s32 $0x0;
	s20 =	sshll.u32 s5, $0x1;
	s5 =	sadd.s32 s21, s3  }
0x9d: {  	[timem:s7], [sflag:s22] =	dma.local [hbm:s5], s20  }
0x9e: {  	_ =	swait.ge [sflag:s22], s20  }
0x9f: {  	s4 =	ssub.s32 $0x0, s20;
	[sflag:s22] =	ssyncset.done $0x0  }
0xa0: {  	[sflag:s22] =	ssyncadd.s32 s4;
	_ =	sdelay $0x1  }
0xa1: {  	s23 =	simm.s32 $0x1B8B  }
0xa2: {  	_ =	swait.ge [sflag:s23], $0x1  }
0xa3: {  	[sflag:s23] =	ssyncset.done $0x0  }
0xa4: {  	s25 =	simm.s32 $0x1B8E;
	s24 =	sld [smem:$0x3FFE];
	[sflag:s23] =	ssyncadd.s32 $0xFFFFFFFF  }
0xa5: {  	s26 =	simm.s32 $execute0_lowered;
	[smem:$0x3FD2] =	sst s25  }
0xa6: {  	s5 =	sshll.u32 s26, $0x1;
	_ =	strace $0x80000046;
	[dreg:$0x1] =	wrdreg $0xFFFFFFFF  }
0xa7: {  	s28 =	simm.s32 $_size_execute0_lowered;
	s3 =	sadd.s32 s3, s5;
	[dreg:$0x0] =	wrdreg $0x0  }
0xa8: {  	s5 =	sshll.u32 s28, $0x1;
	[dreg:$0x2] =	wrdreg s3  }
0xa9: {  	[dreg:$0x3] =	wrdreg s5  }
0xaa: {  	[dreg:$0x4] =	wrdreg $0xC0  }
0xab: {  	_ =	task [dreg:s7], $0x5FFFF  }
0xac: {  	[dreg:$0x1] =	wrdreg $0xFFFFFFFF  }
0xad: {  	[dreg:$0x0] =	wrdreg $0x60  }
0xae: {  	[dreg:$0x2] =	wrdreg s2  }
0xaf: {  	[dreg:$0x3] =	wrdreg s24  }
0xb0: {  	[dreg:$0x4] =	wrdreg $0x9  }
0xb1: {  	_ =	task.clear_ibuf [dreg:s7], $0x5FFFF;
	_ =	strace $0x90000046  }
0xb2: {  	s29 =	simm.s32 $0x9;
	_ =	strace $0x80000048  }
0xb3: {  	_ =	swait.ge [sflag:s29], $0x1  }
0xb4: {  	[sflag:s29] =	ssyncadd.s32 $0xFFFFFFFF  }
0xb5: {  	_ =	strace $0x90000048  }
0xb6: {  	_ =	sfence  }
0xb7: {  	s30 =	sld [smem:$0x0];
	_ =	sdelay $0x2  }
0xb8: {  	s31 =	sshll.u32 s1, $0xD;
	s1 =	sshrl.u32 s1, $0x2  }
0xb9: {  	s3 =	sand.u32 $0x4000, s31;
	s1 =	sadd.s32 s1, s30  }
0xba: {  	s0 =	sor.u32 s3, s0;
	s1 =	sshll.u32 s1, $0x11  }
0xbb: {  	s0 =	sor.u32 s1, s0  }
0xbc: {  	s0 =	sadd.s32 $0x8F2B, s0  }
0xbd: {  	[sflag:s0] =	ssyncadd.remote.s32 $0x1  }
0xbe: {  	_ =	sfence.sel $0xFFFF  }
0xbf: {  	[dreg:$0x0] =	wrdreg $0xFFFFFFFF;
	(pc) =	sbr.abs _section_cstart, $3  }
0xc0: {  	[dreg:$0x1] =	wrdreg $0xFFFFFFFF  }
0xc1: {  	_ =	task.clear_ibuf [dreg:s7], $0x2FFFF;
	_ =	strace $0x9FFFFFFF  }
0xc2: {  	(tm) =	ssettm $0x7FFFFFFF  }
0xc3: {  	_ =	shalt  }
tec
execute0_lowered:
.L_overlay_start_1:
0x0: {  	(tag) =	ssettag $0x1  }
0x1: {  	s0 =	rddreg [dreg:$0x0]  }
0x2: {  	s1 =	rddreg [dreg:$0x1];
	s3 =	srdreg.scid  }
0x3: {  	s2 =	simm.s32 $0x0;
	s5 =	stileid.u32;
	s4 =	sand.u32 $0x1, s3  }
0x4: {  	[smem:$0x7FF] =	sst s2;
	s5 =	sshll.u32 s5, $0xA;
	s6 =	sshll.u32 s4, $0x9  }
0x5: {  	s3 =	sadd.s32 $0x400, s1;
	s4 =	ssub.s32 $0x2, s4;
	s5 =	sor.u32 s6, s5  }
0x6: {  	s7 =	sshrl.u32 s4, $0x1;
	s6 =	sshll.u32 s5, $0x4;
	s5 =	sshrl.u32 s5, $0x3  }
0x7: {  	_ =	strace $0x80000047;
	s4 =	ssub.s32 s4, s7;
	s0 =	sadd.s32 s0, s5  }
0x8: {  	s1 =	sadd.s32 s6, s1;
	s31 =	smax.u32 s4, $0x1;
	[dreg:$0x4] =	wrdreg s0  }
0x9: {  	s30 =	sadd.s32 $0xF42800, s1;
	[dreg:$0x6] =	wrdreg s31  }
0xa: {  	s4 =	simm.s32 $0x0;
	s1 =	simm.s32 $0x2;
	[dreg:$0x5] =	wrdreg s30  }
.LBB2_1:
0xb: {  	[dreg:$0x7] =	wrdreg s4  }
0xc: {  	s0 =	rddreg [dreg:$0x4]  }
0xd: {  	[tilespmem:s2], [sflag:$0x2] =	stream.linear.gather [hbm4b:s0+s2], $0x200, $0x38;
	[tilespmem:$0x10200] =	vst v63  }
0xe: {  	_ =	swait.ge [sflag:s1], $0x200  }
0xf: {  	[sflag:s1] =	ssyncset.done $0x0  }
0x10: {  	s18 =	simm.s32 $0x10;
	[sflag:s1] =	ssyncadd.s32 $0xFFFFFE00  }
0x11: {  	v0 =	vld [tilespmem:s18+$0xFFFFFFF0];
	_ =	sdelay $0x4  }
0x12: {  	v0 =	vshll.u32 v0, $0x4  }
0x13: {  	(v2sf) =	vpush v0, $0x0  }
0x14: {  	(v2sf) =	vpush v0, $0x1  }
0x15: {  	(v2sf) =	vpush v0, $0x2;
	_ =	sdelay $0x1  }
0x16: {  	(v2sf) =	vpush v0, $0x3  }
0x17: {  	(v2sf) =	vpush v0, $0x4;
	_ =	sdelay $0x1  }
0x18: {  	(v2sf) =	vpush v0, $0x5;
	_ =	sdelay $0x3  }
0x19: {  	(v2sf) =	vpush v0, $0x6;
	_ =	sdelay $0x1  }
0x1a: {  	s11 =	simm.s32 $0xA00;
	s28 =	simm.s32 $0x380  }
0x1b: {  	s29 =	simm.s32 $0x280;
	s30 =	simm.s32 $0x300;
	s9 =	simm.s32 $0x200  }
0x1c: {  	s15 =	simm.s32 $0x400;
	s19 =	simm.s32 $0x480;
	s5 =	spop (v2sf);
	(v2sf) =	vpush v0, $0x7  }
0x1d: {  	s22 =	simm.s32 $0x500;
	s5 =	sand.u32 $0x1FFFFFF0, s5;
	s13 =	spop (v2sf)  }
0x1e: {  	s25 =	simm.s32 $0x580;
	(v2sf) =	vpush v0, $0x8;
	s5 =	sadd.s32 s3, s5;
	s14 =	spop (v2sf)  }
0x1f: {  	[tilespmem:s9], [sflag:$0x1] =	stream.linear.gather [hbm4b:s5+s2], $0x80, $0x38;
	[tilespmem:$0x10200] =	vst v63  }
0x20: {  	s13 =	sand.u32 $0x1FFFFFF0, s13;
	s6 =	sand.u32 $0x1FFFFFF0, s14;
	s7 =	spop (v2sf)  }
0x21: {  	(v2sf) =	vpush v0, $0x9;
	s31 =	sadd.s32 s3, s13;
	s8 =	sadd.s32 s3, s6;
	s10 =	spop (v2sf)  }
0x22: {  	[tilespmem:s29], [sflag:$0x1] =	stream.linear.gather [hbm4b:s31+s2], $0x80, $0x38;
	[tilespmem:$0x10200] =	vst v63  }
0x23: {  	s9 =	sand.u32 $0x1FFFFFF0, s7;
	s13 =	sand.u32 $0x1FFFFFF0, s10;
	s14 =	spop (v2sf);
	(v2sf) =	vpush v0, $0xA  }
0x24: {  	[tilespmem:s30], [sflag:$0x1] =	stream.linear.gather [hbm4b:s8+s2], $0x80, $0x38;
	[tilespmem:$0x10200] =	vst v63  }
0x25: {  	s12 =	sadd.s32 s3, s9;
	s29 =	simm.s32 $0x600;
	s16 =	sadd.s32 s3, s13  }
0x26: {  	[tilespmem:s28], [sflag:$0x1] =	stream.linear.gather [hbm4b:s12+s2], $0x80, $0x38;
	[tilespmem:$0x10200] =	vst v63  }
0x27: {  	s17 =	sand.u32 $0x1FFFFFF0, s14;
	s13 =	simm.s32 $0x30;
	s21 =	spop (v2sf)  }
0x28: {  	[tilespmem:s15], [sflag:$0x1] =	stream.linear.gather [hbm4b:s16+s2], $0x80, $0x38;
	[tilespmem:$0x10200] =	vst v63  }
0x29: {  	s14 =	simm.s32 $0x880;
	s20 =	sadd.s32 s3, s17;
	s0 =	sand.u32 $0x1FFFFFF0, s21  }
0x2a: {  	[tilespmem:s19], [sflag:$0x1] =	stream.linear.gather [hbm4b:s20+s2], $0x80, $0x38;
	[tilespmem:$0x10200] =	vst v63  }
0x2b: {  	s17 =	simm.s32 $0x800;
	s0 =	sadd.s32 s3, s0;
	s23 =	spop (v2sf)  }
0x2c: {  	[tilespmem:s22], [sflag:$0x1] =	stream.linear.gather [hbm4b:s0+s2], $0x80, $0x38;
	[tilespmem:$0x10200] =	vst v63  }
0x2d: {  	s21 =	simm.s32 $0x700;
	s4 =	sand.u32 $0x1FFFFFF0, s23;
	s24 =	spop (v2sf)  }
0x2e: {  	(v2sf) =	vpush v0, $0xB;
	s16 =	simm.s32 $0x780;
	s26 =	sadd.s32 s3, s4;
	s28 =	sand.u32 $0x1FFFFFF0, s24  }
0x2f: {  	(v2sf) =	vpush v0, $0xC;
	[tilespmem:s25], [sflag:$0x1] =	stream.linear.gather [hbm4b:s26+s2], $0x80, $0x38;
	[tilespmem:$0x10200] =	vst v63  }
0x30: {  	s15 =	simm.s32 $0x0;
	(v2sf) =	vpush v0, $0xD;
	s31 =	spop (v2sf);
	s30 =	sadd.s32 s3, s28  }
0x31: {  	(v2sf) =	vpush v0, $0xE;
	[tilespmem:s29], [sflag:$0x1] =	stream.linear.gather [hbm4b:s30+s2], $0x80, $0x38;
	[tilespmem:$0x10200] =	vst v63  }
0x32: {  	s23 =	simm.s32 $0x680;
	s1 =	sand.u32 $0x1FFFFFF0, s31;
	(v2sf) =	vpush v0, $0xF;
	s0 =	spop (v2sf)  }
.LBB2_2:
0x33: {  	_ =	sdelay $0x5  }
0x34: {  	s1 =	sadd.s32 s3, s1;
	s0 =	sand.u32 $0x1FFFFFF0, s0  }
0x35: {  	v0 =	vld [tilespmem:s13+$0xFFFFFFF0];
	[tilespmem:s23], [sflag:$0x1] =	stream.linear.gather [hbm4b:s1+s2], $0x80, $0x38  }
0x36: {  	s0 =	sadd.s32 s3, s0  }
0x37: {  	[tilespmem:s21], [sflag:$0x1] =	stream.linear.gather [hbm4b:s0+s2], $0x80, $0x38;
	[tilespmem:$0x10200] =	vst v63  }
0x38: {  	s5 =	smov.u32 s18;
	s4 =	spop (v2sf)  }
0x39: {  	s18 =	smov.u32 s13;
	s12 =	sand.u32 $0x1FFFFFF0, s4;
	s19 =	spop (v2sf)  }
0x3a: {  	s20 =	sadd.s32 s3, s12;
	s21 =	sand.u32 $0x1FFFFFF0, s19;
	s22 =	spop (v2sf)  }
0x3b: {  	v0 =	vshll.u32 v0, $0x4;
	[tilespmem:s16], [sflag:$0x1] =	stream.linear.gather [hbm4b:s20+s2], $0x80, $0x38;
	[tilespmem:$0x10200] =	vst v63  }
0x3c: {  	(v2sf) =	vpush v0, $0x0;
	s23 =	sadd.s32 s3, s21;
	s24 =	sand.u32 $0x1FFFFFF0, s22;
	s25 =	spop (v2sf)  }
0x3d: {  	(v2sf) =	vpush v0, $0x1;
	[tilespmem:s17], [sflag:$0x1] =	stream.linear.gather [hbm4b:s23+s2], $0x80, $0x38;
	[tilespmem:$0x10200] =	vst v63  }
0x3e: {  	(v2sf) =	vpush v0, $0x2;
	s26 =	sadd.s32 s3, s24;
	s29 =	sand.u32 $0x1FFFFFF0, s25;
	s30 =	spop (v2sf)  }
0x3f: {  	[tilespmem:s14], [sflag:$0x1] =	stream.linear.gather [hbm4b:s26+s2], $0x80, $0x38;
	[tilespmem:$0x10200] =	vst v63  }
0x40: {  	s31 =	sadd.s32 $0xFFFFFF00, s11;
	(v2sf) =	vpush v0, $0x3;
	s1 =	sadd.s32 s3, s29;
	s4 =	sand.u32 $0x1FFFFFF0, s30  }
0x41: {  	[tilespmem:s31], [sflag:$0x1] =	stream.linear.gather [hbm4b:s1+s2], $0x80, $0x38;
	[tilespmem:$0x10200] =	vst v63  }
0x42: {  	s28 =	smov.u32 s11;
	(v2sf) =	vpush v0, $0x4;
	s6 =	sadd.s32 s3, s4;
	s1 =	sadd.s32 $0xFFFFFF80, s11  }
0x43: {  	[tilespmem:s1], [sflag:$0x1] =	stream.linear.gather [hbm4b:s6+s2], $0x80, $0x38;
	[tilespmem:$0x10200] =	vst v63  }
0x44: {  	s13 =	sadd.s32 $0x20, s13;
	s15 =	sadd.s32 $0x2, s15;
	s7 =	sadd.s32 $0x780, s28;
	(v2sf) =	vpush v0, $0x5;
	v1 =	vld [tilespmem:s5+$0x0]  }
0x45: {  	s9 =	sadd.s32 $0x180, s28;
	p0 =	slt.u32 s15, $0x1E;
	[dreg:$0x3] =	wrdreg s7  }
0x46: {  	s0 =	sadd.s32 $0x280, s28;
	s19 =	sadd.s32 $0x700, s28;
	s22 =	sadd.s32 $0x600, s28  }
0x47: {  	s20 =	sadd.s32 $0x680, s28;
	s25 =	sadd.s32 $0x500, s28;
	s24 =	sadd.s32 $0x580, s28  }
0x48: {  	s30 =	sadd.s32 $0x380, s28;
	s29 =	sadd.s32 $0x400, s28;
	s4 =	sadd.s32 $0x100, s28  }
0x49: {  	s26 =	sadd.s32 $0x480, s28;
	s11 =	sadd.s32 $0x1000, s11;
	s31 =	sadd.s32 $0x300, s28;
	v1 =	vshll.u32 v1, $0x4  }
0x4a: {  	s14 =	sadd.s32 $0xFFFFFE80, s11;
	s21 =	sadd.s32 $0xFFFFF980, s11;
	s16 =	sadd.s32 $0xFFFFFD80, s11;
	(v2sf) =	vpush v1, $0x0  }
0x4b: {  	s23 =	sadd.s32 $0xFFFFF880, s11;
	s7 =	sadd.s32 $0xFFFFF800, s11;
	s8 =	spop (v2sf);
	(v2sf) =	vpush v1, $0x1  }
0x4c: {  	s6 =	sadd.s32 $0xFFFFF900, s11;
	s8 =	sand.u32 $0x1FFFFFF0, s8;
	s10 =	spop (v2sf);
	(v2sf) =	vpush v1, $0x2  }
0x4d: {  	s8 =	sadd.s32 s3, s8;
	s10 =	sand.u32 $0x1FFFFFF0, s10;
	s12 =	spop (v2sf)  }
0x4e: {  	[tilespmem:s7], [sflag:$0x1] =	stream.linear.gather [hbm4b:s8+s2], $0x80, $0x38;
	(v2sf) =	vpush v1, $0x3;
	[tilespmem:$0x10200] =	vst v63  }
0x4f: {  	s8 =	sadd.s32 s3, s10;
	s10 =	sand.u32 $0x1FFFFFF0, s12;
	s12 =	spop (v2sf)  }
0x50: {  	[tilespmem:s23], [sflag:$0x1] =	stream.linear.gather [hbm4b:s8+s2], $0x80, $0x38;
	(v2sf) =	vpush v1, $0x4;
	[tilespmem:$0x10200] =	vst v63  }
0x51: {  	s12 =	sand.u32 $0x1FFFFFF0, s12;
	s8 =	sadd.s32 s3, s10;
	s23 =	spop (v2sf)  }
0x52: {  	(v2sf) =	vpush v1, $0x5;
	[tilespmem:s6], [sflag:$0x1] =	stream.linear.gather [hbm4b:s8+s2], $0x80, $0x38;
	[tilespmem:$0x10200] =	vst v63  }
0x53: {  	s8 =	sadd.s32 s3, s12;
	s12 =	sand.u32 $0x1FFFFFF0, s23;
	s23 =	spop (v2sf)  }
0x54: {  	(v2sf) =	vpush v1, $0x6;
	[tilespmem:s21], [sflag:$0x1] =	stream.linear.gather [hbm4b:s8+s2], $0x80, $0x38;
	[tilespmem:$0x10200] =	vst v63  }
0x55: {  	s10 =	sadd.s32 $0xFFFFFA00, s11;
	s7 =	sadd.s32 s3, s12;
	s8 =	sand.u32 $0x1FFFFFF0, s23  }
0x56: {  	(v2sf) =	vpush v1, $0x7;
	[tilespmem:s10], [sflag:$0x1] =	stream.linear.gather [hbm4b:s7+s2], $0x80, $0x38;
	[tilespmem:$0x10200] =	vst v63  }
0x57: {  	s17 =	sadd.s32 $0xFFFFFE00, s11;
	s12 =	sadd.s32 $0xFFFFFA80, s11;
	s23 =	sadd.s32 s3, s8  }
0x58: {  	(v2sf) =	vpush v1, $0x8;
	[tilespmem:s12], [sflag:$0x1] =	stream.linear.gather [hbm4b:s23+s2], $0x80, $0x38;
	[tilespmem:$0x10200] =	vst v63  }
0x59: {  	s1 =	sadd.s32 $0x200, s28;
	s5 =	sadd.s32 $0x80, s28;
	s8 =	spop (v2sf)  }
0x5a: {  	s21 =	sadd.s32 $0xFFFFFD00, s11;
	s6 =	sand.u32 $0x1FFFFFF0, s8;
	s10 =	spop (v2sf);
	(v2sf) =	vpush v1, $0x9  }
0x5b: {  	s6 =	sadd.s32 s3, s6;
	s7 =	sand.u32 $0x1FFFFFF0, s10;
	s12 =	spop (v2sf)  }
0x5c: {  	(v2sf) =	vpush v1, $0xA;
	[tilespmem:s28], [sflag:$0x1] =	stream.linear.gather [hbm4b:s6+s2], $0x80, $0x38;
	[tilespmem:$0x10200] =	vst v63  }
0x5d: {  	s10 =	sadd.s32 s3, s7;
	s12 =	sand.u32 $0x1FFFFFF0, s12;
	s28 =	spop (v2sf)  }
0x5e: {  	(v2sf) =	vpush v1, $0xB;
	[tilespmem:s5], [sflag:$0x1] =	stream.linear.gather [hbm4b:s10+s2], $0x80, $0x38;
	[tilespmem:$0x10200] =	vst v63  }
0x5f: {  	s10 =	sadd.s32 s3, s12;
	s12 =	sand.u32 $0x1FFFFFF0, s28;
	s28 =	spop (v2sf)  }
0x60: {  	(v2sf) =	vpush v1, $0xC;
	[tilespmem:s4], [sflag:$0x1] =	stream.linear.gather [hbm4b:s10+s2], $0x80, $0x38;
	[tilespmem:$0x10200] =	vst v63  }
0x61: {  	s6 =	sadd.s32 s3, s12;
	s7 =	sand.u32 $0x1FFFFFF0, s28;
	s8 =	spop (v2sf)  }
0x62: {  	(v2sf) =	vpush v1, $0xD;
	[tilespmem:s9], [sflag:$0x1] =	stream.linear.gather [hbm4b:s6+s2], $0x80, $0x38;
	[tilespmem:$0x10200] =	vst v63  }
0x63: {  	s10 =	sadd.s32 s3, s7;
	s12 =	sand.u32 $0x1FFFFFF0, s8;
	s28 =	spop (v2sf)  }
0x64: {  	(v2sf) =	vpush v1, $0xE;
	[tilespmem:s1], [sflag:$0x1] =	stream.linear.gather [hbm4b:s10+s2], $0x80, $0x38;
	[tilespmem:$0x10200] =	vst v63  }
0x65: {  	s5 =	sadd.s32 s3, s12;
	s7 =	spop (v2sf);
	s6 =	sand.u32 $0x1FFFFFF0, s28  }
0x66: {  	[tilespmem:s0], [sflag:$0x1] =	stream.linear.gather [hbm4b:s5+s2], $0x80, $0x38;
	[tilespmem:$0x10200] =	vst v63  }
0x67: {  	s9 =	sand.u32 $0x1FFFFFF0, s7;
	s8 =	sadd.s32 s3, s6;
	s10 =	spop (v2sf)  }
0x68: {  	(v2sf) =	vpush v1, $0xF;
	[tilespmem:s31], [sflag:$0x1] =	stream.linear.gather [hbm4b:s8+s2], $0x80, $0x38;
	[tilespmem:$0x10200] =	vst v63  }
0x69: {  	s12 =	sadd.s32 s3, s9;
	s28 =	sand.u32 $0x1FFFFFF0, s10;
	s31 =	spop (v2sf)  }
0x6a: {  	(v2sf) =	vpush v0, $0x6;
	[tilespmem:s30], [sflag:$0x1] =	stream.linear.gather [hbm4b:s12+s2], $0x80, $0x38;
	[tilespmem:$0x10200] =	vst v63  }
0x6b: {  	s5 =	sadd.s32 s3, s28;
	s6 =	sand.u32 $0x1FFFFFF0, s31;
	s7 =	spop (v2sf)  }
0x6c: {  	[tilespmem:s29], [sflag:$0x1] =	stream.linear.gather [hbm4b:s5+s2], $0x80, $0x38;
	[tilespmem:$0x10200] =	vst v63  }
0x6d: {  	(v2sf) =	vpush v0, $0x7;
	s8 =	sadd.s32 s3, s6;
	s9 =	sand.u32 $0x1FFFFFF0, s7;
	s10 =	spop (v2sf)  }
0x6e: {  	[tilespmem:s26], [sflag:$0x1] =	stream.linear.gather [hbm4b:s8+s2], $0x80, $0x38;
	[tilespmem:$0x10200] =	vst v63  }
0x6f: {  	(v2sf) =	vpush v0, $0x8;
	s12 =	sadd.s32 s3, s9;
	s28 =	spop (v2sf);
	s26 =	sand.u32 $0x1FFFFFF0, s10  }
0x70: {  	(v2sf) =	vpush v0, $0x9;
	[tilespmem:s25], [sflag:$0x1] =	stream.linear.gather [hbm4b:s12+s2], $0x80, $0x38;
	[tilespmem:$0x10200] =	vst v63  }
0x71: {  	s30 =	sand.u32 $0x1FFFFFF0, s28;
	s31 =	spop (v2sf);
	s29 =	sadd.s32 s3, s26  }
0x72: {  	(v2sf) =	vpush v0, $0xA;
	[tilespmem:s24], [sflag:$0x1] =	stream.linear.gather [hbm4b:s29+s2], $0x80, $0x38;
	[tilespmem:$0x10200] =	vst v63  }
0x73: {  	s1 =	sadd.s32 s3, s30;
	s4 =	sand.u32 $0x1FFFFFF0, s31;
	s5 =	spop (v2sf)  }
0x74: {  	[tilespmem:s22], [sflag:$0x1] =	stream.linear.gather [hbm4b:s1+s2], $0x80, $0x38;
	[tilespmem:$0x10200] =	vst v63  }
0x75: {  	s23 =	sadd.s32 $0xFFFFFC80, s11;
	s6 =	sadd.s32 s3, s4;
	s7 =	sand.u32 $0x1FFFFFF0, s5  }
0x76: {  	[tilespmem:s20], [sflag:$0x1] =	stream.linear.gather [hbm4b:s6+s2], $0x80, $0x38;
	[tilespmem:$0x10200] =	vst v63  }
0x77: {  	s9 =	sadd.s32 $0xFFFFFC00, s11;
	s8 =	spop (v2sf);
	s10 =	sadd.s32 s3, s7  }
0x78: {  	[tilespmem:s19], [sflag:$0x1] =	stream.linear.gather [hbm4b:s10+s2], $0x80, $0x38;
	[tilespmem:$0x10200] =	vst v63  }
0x79: {  	s25 =	sadd.s32 $0xFFFFFB00, s11;
	s12 =	sand.u32 $0x1FFFFFF0, s8;
	s22 =	spop (v2sf)  }
0x7a: {  	s24 =	rddreg [dreg:$0x3];
	s1 =	sadd.s32 s3, s12;
	s4 =	sand.u32 $0x1FFFFFF0, s22  }
0x7b: {  	[tilespmem:s24], [sflag:$0x1] =	stream.linear.gather [hbm4b:s1+s2], $0x80, $0x38;
	[tilespmem:$0x10200] =	vst v63  }
0x7c: {  	s20 =	sadd.s32 $0xFFFFFB80, s11;
	s26 =	spop (v2sf);
	s4 =	sadd.s32 s3, s4  }
0x7d: {  	[tilespmem:s25], [sflag:$0x1] =	stream.linear.gather [hbm4b:s4+s2], $0x80, $0x38;
	[tilespmem:$0x10200] =	vst v63  }
.Ltmp0:
0x7e: {  	(v2sf) =	vpush v0, $0xB;
	s6 =	sand.u32 $0x1FFFFFF0, s26;
	s28 =	spop (v2sf);
	(pc) =	sbr.rel @p0 .LBB2_2-.Ltmp0, $4  }
0x7f: {  	(v2sf) =	vpush v0, $0xC;
	s29 =	sadd.s32 s3, s6;
	s30 =	sand.u32 $0x1FFFFFF0, s28;
	s31 =	spop (v2sf)  }
0x80: {  	(v2sf) =	vpush v0, $0xD;
	[tilespmem:s20], [sflag:$0x1] =	stream.linear.gather [hbm4b:s29+s2], $0x80, $0x38;
	[tilespmem:$0x10200] =	vst v63  }
0x81: {  	(v2sf) =	vpush v0, $0xE;
	s4 =	sadd.s32 s3, s30;
	s1 =	sand.u32 $0x1FFFFFF0, s31;
	s0 =	spop (v2sf)  }
0x82: {  	(v2sf) =	vpush v0, $0xF;
	[tilespmem:s9], [sflag:$0x1] =	stream.linear.gather [hbm4b:s4+s2], $0x80, $0x38;
	[tilespmem:$0x10200] =	vst v63  }
0x83: {  	_ =	sdelay $0x5  }
0x84: {  	s1 =	sadd.s32 s3, s1;
	s0 =	sand.u32 $0x1FFFFFF0, s0  }
0x85: {  	[tilespmem:s23], [sflag:$0x1] =	stream.linear.gather [hbm4b:s1+s2], $0x80, $0x38;
	[tilespmem:$0x10200] =	vst v63  }
0x86: {  	s0 =	sadd.s32 s3, s0  }
0x87: {  	[tilespmem:s21], [sflag:$0x1] =	stream.linear.gather [hbm4b:s0+s2], $0x80, $0x38;
	[tilespmem:$0x10200] =	vst v63  }
0x88: {  	s13 =	spop (v2sf)  }
0x89: {  	s0 =	sand.u32 $0x1FFFFFF0, s13  }
0x8a: {  	s15 =	spop (v2sf);
	s0 =	sadd.s32 s3, s0  }
0x8b: {  	[tilespmem:s16], [sflag:$0x1] =	stream.linear.gather [hbm4b:s0+s2], $0x80, $0x38;
	[tilespmem:$0x10200] =	vst v63  }
0x8c: {  	s0 =	sand.u32 $0x1FFFFFF0, s15  }
0x8d: {  	s16 =	spop (v2sf);
	s0 =	sadd.s32 s3, s0  }
0x8e: {  	[tilespmem:s17], [sflag:$0x1] =	stream.linear.gather [hbm4b:s0+s2], $0x80, $0x38;
	[tilespmem:$0x10200] =	vst v63  }
0x8f: {  	s0 =	sand.u32 $0x1FFFFFF0, s16  }
0x90: {  	s17 =	spop (v2sf);
	s0 =	sadd.s32 s3, s0  }
0x91: {  	[tilespmem:s14], [sflag:$0x1] =	stream.linear.gather [hbm4b:s0+s2], $0x80, $0x38;
	[tilespmem:$0x10200] =	vst v63  }
0x92: {  	s0 =	sand.u32 $0x1FFFFFF0, s17  }
0x93: {  	s19 =	sadd.s32 $0xFFFFFF00, s11;
	s20 =	spop (v2sf);
	s0 =	sadd.s32 s3, s0  }
0x94: {  	[tilespmem:s19], [sflag:$0x1] =	stream.linear.gather [hbm4b:s0+s2], $0x80, $0x38;
	[tilespmem:$0x10200] =	vst v63  }
0x95: {  	s0 =	sand.u32 $0x1FFFFFF0, s20  }
0x96: {  	s21 =	sadd.s32 $0xFFFFFF80, s11;
	s0 =	sadd.s32 s3, s0  }
0x97: {  	[tilespmem:s21], [sflag:$0x1] =	stream.linear.gather [hbm4b:s0+s2], $0x80, $0x38;
	[tilespmem:$0x10200] =	vst v63  }
0x98: {  	v0 =	vld [tilespmem:s18+$0x0];
	_ =	sdelay $0x4  }
0x99: {  	v0 =	vshll.u32 v0, $0x4  }
0x9a: {  	(v2sf) =	vpush v0, $0x0;
	_ =	sdelay $0x1  }
0x9b: {  	(v2sf) =	vpush v0, $0x1;
	_ =	sdelay $0x1  }
0x9c: {  	(v2sf) =	vpush v0, $0x2;
	_ =	sdelay $0x3  }
0x9d: {  	(v2sf) =	vpush v0, $0x3;
	_ =	sdelay $0x4  }
0x9e: {  	(v2sf) =	vpush v0, $0x4;
	_ =	sdelay $0x1  }
0x9f: {  	s22 =	spop (v2sf);
	(v2sf) =	vpush v0, $0x5;
	_ =	sdelay $0x1  }
0xa0: {  	s23 =	spop (v2sf);
	(v2sf) =	vpush v0, $0x6;
	_ =	sdelay $0x1  }
0xa1: {  	s25 =	spop (v2sf);
	(v2sf) =	vpush v0, $0x7  }
0xa2: {  	s0 =	sand.u32 $0x1FFFFFF0, s22  }
0xa3: {  	s24 =	sadd.s32 $0x80, s11;
	s0 =	sadd.s32 s3, s0;
	s1 =	sand.u32 $0x1FFFFFF0, s23  }
0xa4: {  	[tilespmem:s11], [sflag:$0x1] =	stream.linear.gather [hbm4b:s0+s2], $0x80, $0x38;
	[tilespmem:$0x10200] =	vst v63  }
0xa5: {  	s1 =	sadd.s32 s3, s1;
	s0 =	sand.u32 $0x1FFFFFF0, s25;
	s28 =	spop (v2sf)  }
0xa6: {  	(v2sf) =	vpush v0, $0x8;
	[tilespmem:s24], [sflag:$0x1] =	stream.linear.gather [hbm4b:s1+s2], $0x80, $0x38;
	[tilespmem:$0x10200] =	vst v63  }
0xa7: {  	s26 =	sadd.s32 $0x100, s11;
	s0 =	sadd.s32 s3, s0  }
0xa8: {  	[tilespmem:s26], [sflag:$0x1] =	stream.linear.gather [hbm4b:s0+s2], $0x80, $0x38;
	[tilespmem:$0x10200] =	vst v63  }
0xa9: {  	s0 =	sand.u32 $0x1FFFFFF0, s28  }
0xaa: {  	s29 =	sadd.s32 $0x180, s11;
	s30 =	spop (v2sf);
	s0 =	sadd.s32 s3, s0  }
0xab: {  	[tilespmem:s29], [sflag:$0x1] =	stream.linear.gather [hbm4b:s0+s2], $0x80, $0x38;
	[tilespmem:$0x10200] =	vst v63  }
0xac: {  	s4 =	spop (v2sf);
	(v2sf) =	vpush v0, $0x9  }
0xad: {  	s0 =	sand.u32 $0x1FFFFFF0, s30  }
0xae: {  	s31 =	sadd.s32 $0x200, s11;
	s0 =	sadd.s32 s3, s0;
	s6 =	spop (v2sf);
	(v2sf) =	vpush v0, $0xA  }
0xaf: {  	[tilespmem:s31], [sflag:$0x1] =	stream.linear.gather [hbm4b:s0+s2], $0x80, $0x38;
	[tilespmem:$0x10200] =	vst v63  }
0xb0: {  	s8 =	spop (v2sf);
	(v2sf) =	vpush v0, $0xB  }
0xb1: {  	s0 =	sand.u32 $0x1FFFFFF0, s4  }
0xb2: {  	s5 =	sadd.s32 $0x280, s11;
	s0 =	sadd.s32 s3, s0  }
0xb3: {  	[tilespmem:s5], [sflag:$0x1] =	stream.linear.gather [hbm4b:s0+s2], $0x80, $0x38;
	[tilespmem:$0x10200] =	vst v63  }
0xb4: {  	s0 =	sand.u32 $0x1FFFFFF0, s6  }
0xb5: {  	s7 =	sadd.s32 $0x300, s11;
	s10 =	spop (v2sf);
	s0 =	sadd.s32 s3, s0  }
0xb6: {  	(v2sf) =	vpush v0, $0xC;
	[tilespmem:s7], [sflag:$0x1] =	stream.linear.gather [hbm4b:s0+s2], $0x80, $0x38;
	[tilespmem:$0x10200] =	vst v63  }
0xb7: {  	s0 =	sand.u32 $0x1FFFFFF0, s8  }
0xb8: {  	s9 =	sadd.s32 $0x380, s11;
	s0 =	sadd.s32 s3, s0  }
0xb9: {  	[tilespmem:s9], [sflag:$0x1] =	stream.linear.gather [hbm4b:s0+s2], $0x80, $0x38;
	[tilespmem:$0x10200] =	vst v63  }
0xba: {  	s0 =	sand.u32 $0x1FFFFFF0, s10  }
0xbb: {  	s12 =	sadd.s32 $0x400, s11;
	s0 =	sadd.s32 s3, s0;
	s13 =	spop (v2sf);
	(v2sf) =	vpush v0, $0xD  }
0xbc: {  	[tilespmem:s12], [sflag:$0x1] =	stream.linear.gather [hbm4b:s0+s2], $0x80, $0x38;
	[tilespmem:$0x10200] =	vst v63  }
0xbd: {  	s15 =	spop (v2sf);
	(v2sf) =	vpush v0, $0xE  }
0xbe: {  	s0 =	sand.u32 $0x1FFFFFF0, s13  }
0xbf: {  	s14 =	sadd.s32 $0x480, s11;
	s0 =	sadd.s32 s3, s0;
	s17 =	spop (v2sf)  }
0xc0: {  	(v2sf) =	vpush v0, $0xF;
	[tilespmem:s14], [sflag:$0x1] =	stream.linear.gather [hbm4b:s0+s2], $0x80, $0x38;
	[tilespmem:$0x10200] =	vst v63  }
0xc1: {  	s0 =	sand.u32 $0x1FFFFFF0, s15  }
0xc2: {  	s16 =	sadd.s32 $0x500, s11;
	s0 =	sadd.s32 s3, s0  }
0xc3: {  	[tilespmem:s16], [sflag:$0x1] =	stream.linear.gather [hbm4b:s0+s2], $0x80, $0x38;
	[tilespmem:$0x10200] =	vst v63  }
0xc4: {  	s0 =	sand.u32 $0x1FFFFFF0, s17  }
0xc5: {  	s18 =	sadd.s32 $0x580, s11;
	s19 =	spop (v2sf);
	s0 =	sadd.s32 s3, s0  }
0xc6: {  	[tilespmem:s18], [sflag:$0x1] =	stream.linear.gather [hbm4b:s0+s2], $0x80, $0x38;
	[tilespmem:$0x10200] =	vst v63  }
0xc7: {  	s0 =	sand.u32 $0x1FFFFFF0, s19  }
0xc8: {  	s20 =	sadd.s32 $0x600, s11;
	s0 =	sadd.s32 s3, s0  }
0xc9: {  	[tilespmem:s20], [sflag:$0x1] =	stream.linear.gather [hbm4b:s0+s2], $0x80, $0x38;
	[tilespmem:$0x10200] =	vst v63  }
0xca: {  	s21 =	spop (v2sf)  }
0xcb: {  	s0 =	sand.u32 $0x1FFFFFF0, s21  }
0xcc: {  	s22 =	sadd.s32 $0x680, s11;
	s23 =	spop (v2sf);
	s0 =	sadd.s32 s3, s0  }
0xcd: {  	[tilespmem:s22], [sflag:$0x1] =	stream.linear.gather [hbm4b:s0+s2], $0x80, $0x38;
	[tilespmem:$0x10200] =	vst v63  }
0xce: {  	s0 =	sand.u32 $0x1FFFFFF0, s23  }
0xcf: {  	s24 =	sadd.s32 $0x700, s11;
	s25 =	spop (v2sf);
	s0 =	sadd.s32 s3, s0  }
0xd0: {  	[tilespmem:s24], [sflag:$0x1] =	stream.linear.gather [hbm4b:s0+s2], $0x80, $0x38;
	[tilespmem:$0x10200] =	vst v63  }
0xd1: {  	s0 =	sand.u32 $0x1FFFFFF0, s25  }
0xd2: {  	s26 =	sadd.s32 $0x780, s11;
	s28 =	simm.s32 $0x1;
	s0 =	sadd.s32 s3, s0  }
0xd3: {  	[tilespmem:s26], [sflag:$0x1] =	stream.linear.gather [hbm4b:s0+s2], $0x80, $0x38;
	[tilespmem:$0x10200] =	vst v63  }
0xd4: {  	_ =	swait.ge [sflag:s28], $0x10000  }
0xd5: {  	s1 =	simm.s32 $0x2;
	[sflag:s28] =	ssyncset.done $0x0  }
0xd6: {  	s30 =	simm.s32 $0x200;
	s29 =	rddreg [dreg:$0x5];
	[sflag:s28] =	ssyncadd.s32 $0xFFFF0000  }
0xd7: {  	[hbm4b:s29+s2] =	stream.linear.scatter [tilespmem:s30], [sflag:$0x2], $0x10000, $0x38;
	[tilespmem:$0x10200] =	vst v63  }
0xd8: {  	_ =	swait.ge [sflag:s1], $0x10000  }
0xd9: {  	s4 =	rddreg [dreg:$0x7]  }
0xda: {  	s31 =	rddreg [dreg:$0x6];
	s4 =	sadd.s32 $0x1, s4  }
0xdb: {  	p0 =	sne.s32 s4, s31  }
.Ltmp1:
0xdc: {  	_ = 	snop;
	(pc) =	sbr.rel @p0 .LBB2_1-.Ltmp1, $3  }
0xdd: {  	_ =	sdelay $0x1  }
0xde: {  	[sflag:s1] =	ssyncset.done $0x0  }
0xdf: {  	[sflag:s1] =	ssyncadd.s32 $0xFFFF0000  }
0xe0: {  	_ =	sfence.sel $0x180000  }
0xe1: {  	[bflag:$0x0] =	sbarrier.arrive $0xFFFF  }
0xe2: {  	_ =	strace $0x90000047  }
0xe3: {  	s0 =	stileid.u32;
	[bflag:$0x2] =	sbarrier.arrive $0xFFFF  }
0xe4: {  	p0 =	sne.s32 s0, $0x0;
	s0 =	rddreg [dreg:$0x2]  }
0xe5: {  	s0 =	sadd.s32 @!p0 $0x100000, s0  }
0xe6: {  	[sflag:s0] =	ssyncadd.tile.s32 @!p0 $0x1;
	_ =	shalt  }
.Lfunc_end2:
_tile_overlayer_lowered:
.L_overlay_start_2:
0xe7: {  	(tag) =	ssettag $0x2  }
0xe8: {  	s0 =	rddreg [dreg:$0x0];
	s2 =	stileid.u32  }
0xe9: {  	s1 =	rddreg [dreg:$0x1];
	p0 =	sne.s32 s2, $0x0  }
0xea: {  	s3 =	rddreg [dreg:$0x2];
	[bflag:$0x3] =	sbarrier.arrive $0xFFFF;
	s2 =	simm.s32 @!p0 $0x1C02  }
0xeb: {  	[timem:s3], [sflag:s2] =	dma.local @!p0 [hbm:s0], s1  }
0xec: {  	s0 =	simm.s32 @!p0 $0x2  }
0xed: {  	_ =	swait.ge @!p0 [sflag:s0], s1  }
0xee: {  	s1 =	ssub.s32 @!p0 $0x0, s1;
	[sflag:s0] =	ssyncset.done @!p0 $0x0  }
0xef: {  	[sflag:s0] =	ssyncadd.s32 @!p0 s1  }
0xf0: {  	[bflag:$0x3] =	sbarrier.arrive $0xFFFF  }
0xf1: {  	_ =	shalt  }

</sc_bundles>
